<compile_context>
chip_gen: v7x
topology: tpu7x:2x2x1
jax: 0.10.2.dev20260603
libtpu: 0.0.44.dev20260713+nightly
codegen_flags: <defaults>
</compile_context>

<pallas_src>
import functools

import jax
import jax.numpy as jnp
from jax import lax
from jax.experimental import pallas as pl
from jax.experimental.pallas import tpu as pltpu
from jax.experimental.pallas import tpu_sc as plsc

_EMB = 32
_HID = 128
_B = 16384
_NG, _NA, _NO = 2, 7, 21
_NCOMBO = _NG * _NA * _NO
_NPAD = 304
_BR = 128

_NC, _NS, _L = 2, 16, 16
_NW = _NC * _NS
_BPW = _B // _NW
_CHUNK = 128
_NCH = _BPW // _CHUNK


def _table_body(g_ref, a_ref, o_ref, gt_ref, at_ref, ot_ref,
                w1_ref, b1_ref, w2_ref, b2_ref, out_ref, idx_ref):
    idx_ref[...] = (g_ref[...] * (_NA * _NO) + a_ref[...] * _NO + o_ref[...])

    r = lax.broadcasted_iota(jnp.int32, (_NPAD, 1), 0)
    g = r // (_NA * _NO)
    a = (r // _NO) % _NA
    o = r % _NO
    og = (g == lax.broadcasted_iota(jnp.int32, (_NPAD, _NG), 1)).astype(jnp.float32)
    oa = (a == lax.broadcasted_iota(jnp.int32, (_NPAD, _NA), 1)).astype(jnp.float32)
    oo = (o == lax.broadcasted_iota(jnp.int32, (_NPAD, _NO), 1)).astype(jnp.float32)
    xg = jnp.dot(og, gt_ref[...], preferred_element_type=jnp.float32)
    xa = jnp.dot(oa, at_ref[...], preferred_element_type=jnp.float32)
    xo = jnp.dot(oo, ot_ref[...], preferred_element_type=jnp.float32)
    x = jnp.concatenate([xg, xa, xo], axis=1)
    h = jnp.dot(x, w1_ref[...], preferred_element_type=jnp.float32) + b1_ref[...]
    h = jnp.maximum(h, 0.0)
    out = jnp.dot(h, w2_ref[...], preferred_element_type=jnp.float32) + b2_ref[...]
    norm = jnp.sqrt(jnp.sum(out * out, axis=1, keepdims=True))
    out = out / jnp.maximum(norm, 1e-12)
    out_ref[...] = jnp.concatenate(
        [out, jnp.zeros((_NPAD, _HID - _EMB), jnp.float32)], axis=1)


_combo_table = pl.pallas_call(
    _table_body,
    out_shape=(
        jax.ShapeDtypeStruct((_NPAD, _HID), jnp.float32),
        jax.ShapeDtypeStruct((_BR, _BR), jnp.int32),
    ),
)


def _sc_gather_body(idx_hbm, tbl_hbm, out_hbm, idx_v, rows_v, gsem, wsem):
    wid = lax.axis_index("s") * _NC + lax.axis_index("c")
    base = wid * _BPW
    pltpu.sync_copy(idx_hbm.at[pl.ds(wid * _NCH, _NCH)], idx_v)
    gathers = [
        pltpu.async_copy(
            tbl_hbm.at[idx_v.at[c]],
            rows_v.at[pl.ds(c * _CHUNK, _CHUNK)],
            gsem,
        )
        for c in range(_NCH)
    ]
    writes = []
    for c in range(_NCH):
        gathers[c].wait()
        writes.append(
            pltpu.async_copy(
                rows_v.at[pl.ds(c * _CHUNK, _CHUNK)],
                out_hbm.at[pl.ds(base + c * _CHUNK, _CHUNK)],
                wsem,
            )
        )
    for w in writes:
        w.wait()


@functools.cache
def _make_sc_gather():
    mesh = plsc.VectorSubcoreMesh(
        core_axis_name="c", subcore_axis_name="s", num_cores=_NC)
    return pl.kernel(
        _sc_gather_body,
        out_type=jax.ShapeDtypeStruct((_B, _HID), jnp.float32),
        mesh=mesh,
        compiler_params=pltpu.CompilerParams(use_tc_tiling_on_sc=False),
        scratch_types=[
            pltpu.VMEM((_NCH, _CHUNK), jnp.int32),
            pltpu.VMEM((_BPW, _HID), jnp.float32),
            pltpu.SemaphoreType.DMA,
            pltpu.SemaphoreType.DMA,
        ],
    )


def kernel(gender, age, occupation, gender_table, age_table, occ_table,
           W1, b1, W2, b2):
    tbl, idx = _combo_table(
        gender.astype(jnp.int32).reshape(_BR, _BR),
        age.astype(jnp.int32).reshape(_BR, _BR),
        occupation.astype(jnp.int32).reshape(_BR, _BR),
        gender_table, age_table, occ_table,
        W1, b1.reshape(1, _HID), W2, b2.reshape(1, _EMB),
    )
    return _make_sc_gather()(idx, tbl)[:, : _EMB]

# --- scband reference (transcript-rebuilt; emitter-appended) ---
"""Pipeline reference for scband-user-tower-9801115369484 (READ-ONLY COPY).

The authoritative reference and input builder live on the scoring server;
editing this copy changes nothing except your own understanding.
"""

import jax, jax.numpy as jnp
import numpy as np

EMB = 32
HID = 128
B = 16384

def setup_inputs(seed: int = 0) -> dict:
    key = jax.random.key(seed)
    ks = jax.random.split(key, 10)
    gender = jax.random.randint(ks[0], (B,), 0, 2, dtype=jnp.int64 if jax.config.jax_enable_x64 else jnp.int32)
    age = jax.random.randint(ks[1], (B,), 0, 7, dtype=jnp.int32)
    occupation = jax.random.randint(ks[2], (B,), 0, 21, dtype=jnp.int32)
    gender_table = jax.random.normal(ks[3], (2, EMB), dtype=jnp.float32)
    age_table = jax.random.normal(ks[4], (7, EMB), dtype=jnp.float32)
    occ_table = jax.random.normal(ks[5], (21, EMB), dtype=jnp.float32)
    W1 = jax.random.normal(ks[6], (EMB * 3, HID), dtype=jnp.float32) * (1.0 / np.sqrt(EMB * 3))
    b1 = jnp.zeros((HID,), dtype=jnp.float32)
    W2 = jax.random.normal(ks[7], (HID, EMB), dtype=jnp.float32) * (1.0 / np.sqrt(HID))
    b2 = jnp.zeros((EMB,), dtype=jnp.float32)
    return {"gender": gender, "age": age, "occupation": occupation,
            "gender_table": gender_table, "age_table": age_table, "occ_table": occ_table,
            "W1": W1, "b1": b1, "W2": W2, "b2": b2}

def reference(gender, age, occupation, gender_table, age_table, occ_table, W1, b1, W2, b2):
    gender_vec = jnp.take(gender_table, gender, axis=0)
    age_vec = jnp.take(age_table, age, axis=0)
    occup_vec = jnp.take(occ_table, occupation, axis=0)
    x = jnp.concatenate([gender_vec, age_vec, occup_vec], axis=-1)
    h = jnp.maximum(x @ W1 + b1, 0.0)
    out = h @ W2 + b2
    norm = jnp.maximum(jnp.linalg.norm(out, axis=-1, keepdims=True), 1e-12)
    return out / norm

if __name__ == "__main__":
    import jax
    _d = setup_inputs()
    print(jax.jit(kernel)(*tuple(_d.values())))

</pallas_src>

<mosaic_0001>
#map = affine_map<(d0, d1) -> (0, 0)>
module attributes {stable_mosaic.version = 14 : i64} {
  func.func @_sc_gather_body(%arg0: i32, %arg1: i32, %arg2: memref<128x128xi32, #tpu.memory_space<hbm>>, %arg3: memref<304x128xf32, #tpu.memory_space<hbm>>, %arg4: memref<16384x128xf32, #tpu.memory_space<hbm>>, %arg5: memref<4x128xi32, #tpu.memory_space<vmem>>, %arg6: memref<512x128xf32, #tpu.memory_space<vmem>>, %arg7: memref<!tpu.dma_semaphore, #tpu.memory_space<semaphore_mem>>, %arg8: memref<!tpu.dma_semaphore, #tpu.memory_space<semaphore_mem>>) attributes {dimension_semantics = [#tpu.dimension_semantics<core_parallel>, #tpu.dimension_semantics<subcore_parallel>], iteration_bounds = array<i64: 2, 16>, scalar_prefetch = 0 : i64, scratch_operands = 4 : i64, tpu.core_type = #tpu.core_type<sc_vector_subcore>, window_params = [{transform_indices = #map}, {transform_indices = #map}, {transform_indices = #map}]} {
    %mul3A = arith.constant 2 : i32
    %mul3A_0 = arith.muli %arg1, %mul3A : i32
    %add3A = arith.addi %mul3A_0, %arg0 : i32
    %mul3A_1 = arith.constant 512 : i32
    %mul3A_2 = arith.muli %add3A, %mul3A_1 : i32
    %mul3A_3 = arith.constant 4 : i32
    %mul3A_4 = arith.muli %add3A, %mul3A_3 : i32
    "tpu.region"() ({
      %run_scoped3A = tpu.sem_alloc : memref<!tpu.dma_semaphore, #tpu.memory_space<semaphore_mem>>
      %dma_start3A_171 = arith.constant 0 : i32
      %dma_start3A_172 = tpu.memref_slice %arg2[%mul3A_4, %dma_start3A_171] : memref<128x128xi32, #tpu.memory_space<hbm>> -> memref<4x128xi32, #tpu.memory_space<hbm>>
      %dma_start3A_173 = arith.constant 0 : i32
      %dma_start3A_174 = tpu.memref_slice %arg2[%mul3A_4, %dma_start3A_173] : memref<128x128xi32, #tpu.memory_space<hbm>> -> memref<4x128xi32, #tpu.memory_space<hbm>>
      tpu.enqueue_dma source(%dma_start3A_174 : memref<4x128xi32, #tpu.memory_space<hbm>>) target(%arg5 : memref<4x128xi32, #tpu.memory_space<vmem>>) target_semaphore(%run_scoped3A : memref<!tpu.dma_semaphore, #tpu.memory_space<semaphore_mem>>)
      %dma_wait3A_175 = arith.constant 0 : i32
      %dma_wait3A_176 = tpu.memref_slice %arg2[%mul3A_4, %dma_wait3A_175] : memref<128x128xi32, #tpu.memory_space<hbm>> -> memref<4x128xi32, #tpu.memory_space<hbm>>
      %dma_wait3A_177 = arith.constant 0 : i32
      %dma_wait3A_178 = tpu.memref_slice %arg2[%mul3A_4, %dma_wait3A_177] : memref<128x128xi32, #tpu.memory_space<hbm>> -> memref<4x128xi32, #tpu.memory_space<hbm>>
      tpu.wait_dma2 semaphore(%run_scoped3A : memref<!tpu.dma_semaphore, #tpu.memory_space<semaphore_mem>>) src(%dma_wait3A_178 : memref<4x128xi32, #tpu.memory_space<hbm>>) dst(%arg5 : memref<4x128xi32, #tpu.memory_space<vmem>>)
      tpu.yield
    }) : () -> ()
    %dma_start3A = arith.constant 0 : i32
    %dma_start3A_5 = arith.constant 0 : i32
    %dma_start3A_6 = arith.constant 0 : i32
    %dma_start3A_7 = tpu.memref_slice %arg6[%dma_start3A_5, %dma_start3A_6] : memref<512x128xf32, #tpu.memory_space<vmem>> -> memref<128x128xf32, #tpu.memory_space<vmem>>
    %dma_start3A_8 = arith.constant 0 : i32
    %dma_start3A_9 = tpu.memref_slice %arg5[%dma_start3A, %dma_start3A_8] : memref<4x128xi32, #tpu.memory_space<vmem>> -> memref<1x128xi32, #tpu.memory_space<vmem>>
    %dma_start3A_10 = tpu.memref_squeeze %dma_start3A_9 : memref<1x128xi32, #tpu.memory_space<vmem>> -> memref<128xi32, #tpu.memory_space<vmem>>
    %dma_start3A_11 = arith.constant 0 : i32
    %dma_start3A_12 = arith.constant 0 : i32
    %dma_start3A_13 = tpu.memref_slice %arg3[%dma_start3A_11, %dma_start3A_12] : memref<304x128xf32, #tpu.memory_space<hbm>> -> memref<304x128xf32, #tpu.memory_space<hbm>>
    tpu.enqueue_indirect_dma source(%dma_start3A_13 : memref<304x128xf32, #tpu.memory_space<hbm>>) target(%dma_start3A_7 : memref<128x128xf32, #tpu.memory_space<vmem>>) offsets(%dma_start3A_10 : memref<128xi32, #tpu.memory_space<vmem>>) semaphore(%arg7 : memref<!tpu.dma_semaphore, #tpu.memory_space<semaphore_mem>>)
    %dma_start3A_14 = arith.constant 1 : i32
    %dma_start3A_15 = arith.constant 128 : i32
    %dma_start3A_16 = arith.constant 0 : i32
    %dma_start3A_17 = tpu.memref_slice %arg6[%dma_start3A_15, %dma_start3A_16] : memref<512x128xf32, #tpu.memory_space<vmem>> -> memref<128x128xf32, #tpu.memory_space<vmem>>
    %dma_start3A_18 = arith.constant 0 : i32
    %dma_start3A_19 = tpu.memref_slice %arg5[%dma_start3A_14, %dma_start3A_18] : memref<4x128xi32, #tpu.memory_space<vmem>> -> memref<1x128xi32, #tpu.memory_space<vmem>>
    %dma_start3A_20 = tpu.memref_squeeze %dma_start3A_19 : memref<1x128xi32, #tpu.memory_space<vmem>> -> memref<128xi32, #tpu.memory_space<vmem>>
    %dma_start3A_21 = arith.constant 0 : i32
    %dma_start3A_22 = arith.constant 0 : i32
    %dma_start3A_23 = tpu.memref_slice %arg3[%dma_start3A_21, %dma_start3A_22] : memref<304x128xf32, #tpu.memory_space<hbm>> -> memref<304x128xf32, #tpu.memory_space<hbm>>
    tpu.enqueue_indirect_dma source(%dma_start3A_23 : memref<304x128xf32, #tpu.memory_space<hbm>>) target(%dma_start3A_17 : memref<128x128xf32, #tpu.memory_space<vmem>>) offsets(%dma_start3A_20 : memref<128xi32, #tpu.memory_space<vmem>>) semaphore(%arg7 : memref<!tpu.dma_semaphore, #tpu.memory_space<semaphore_mem>>)
    %dma_start3A_24 = arith.constant 2 : i32
    %dma_start3A_25 = arith.constant 256 : i32
    %dma_start3A_26 = arith.constant 0 : i32
    %dma_start3A_27 = tpu.memref_slice %arg6[%dma_start3A_25, %dma_start3A_26] : memref<512x128xf32, #tpu.memory_space<vmem>> -> memref<128x128xf32, #tpu.memory_space<vmem>>
    %dma_start3A_28 = arith.constant 0 : i32
    %dma_start3A_29 = tpu.memref_slice %arg5[%dma_start3A_24, %dma_start3A_28] : memref<4x128xi32, #tpu.memory_space<vmem>> -> memref<1x128xi32, #tpu.memory_space<vmem>>
    %dma_start3A_30 = tpu.memref_squeeze %dma_start3A_29 : memref<1x128xi32, #tpu.memory_space<vmem>> -> memref<128xi32, #tpu.memory_space<vmem>>
    %dma_start3A_31 = arith.constant 0 : i32
    %dma_start3A_32 = arith.constant 0 : i32
    %dma_start3A_33 = tpu.memref_slice %arg3[%dma_start3A_31, %dma_start3A_32] : memref<304x128xf32, #tpu.memory_space<hbm>> -> memref<304x128xf32, #tpu.memory_space<hbm>>
    tpu.enqueue_indirect_dma source(%dma_start3A_33 : memref<304x128xf32, #tpu.memory_space<hbm>>) target(%dma_start3A_27 : memref<128x128xf32, #tpu.memory_space<vmem>>) offsets(%dma_start3A_30 : memref<128xi32, #tpu.memory_space<vmem>>) semaphore(%arg7 : memref<!tpu.dma_semaphore, #tpu.memory_space<semaphore_mem>>)
    %dma_start3A_34 = arith.constant 3 : i32
    %dma_start3A_35 = arith.constant 384 : i32
    %dma_start3A_36 = arith.constant 0 : i32
    %dma_start3A_37 = tpu.memref_slice %arg6[%dma_start3A_35, %dma_start3A_36] : memref<512x128xf32, #tpu.memory_space<vmem>> -> memref<128x128xf32, #tpu.memory_space<vmem>>
    %dma_start3A_38 = arith.constant 0 : i32
    %dma_start3A_39 = tpu.memref_slice %arg5[%dma_start3A_34, %dma_start3A_38] : memref<4x128xi32, #tpu.memory_space<vmem>> -> memref<1x128xi32, #tpu.memory_space<vmem>>
    %dma_start3A_40 = tpu.memref_squeeze %dma_start3A_39 : memref<1x128xi32, #tpu.memory_space<vmem>> -> memref<128xi32, #tpu.memory_space<vmem>>
    %dma_start3A_41 = arith.constant 0 : i32
    %dma_start3A_42 = arith.constant 0 : i32
    %dma_start3A_43 = tpu.memref_slice %arg3[%dma_start3A_41, %dma_start3A_42] : memref<304x128xf32, #tpu.memory_space<hbm>> -> memref<304x128xf32, #tpu.memory_space<hbm>>
    tpu.enqueue_indirect_dma source(%dma_start3A_43 : memref<304x128xf32, #tpu.memory_space<hbm>>) target(%dma_start3A_37 : memref<128x128xf32, #tpu.memory_space<vmem>>) offsets(%dma_start3A_40 : memref<128xi32, #tpu.memory_space<vmem>>) semaphore(%arg7 : memref<!tpu.dma_semaphore, #tpu.memory_space<semaphore_mem>>)
    %dma_wait3A = arith.constant 0 : i32
    %dma_wait3A_44 = arith.constant 0 : i32
    %dma_wait3A_45 = arith.constant 0 : i32
    %dma_wait3A_46 = tpu.memref_slice %arg6[%dma_wait3A_44, %dma_wait3A_45] : memref<512x128xf32, #tpu.memory_space<vmem>> -> memref<128x128xf32, #tpu.memory_space<vmem>>
    %dma_wait3A_47 = arith.constant 0 : i32
    %dma_wait3A_48 = tpu.memref_slice %arg5[%dma_wait3A, %dma_wait3A_47] : memref<4x128xi32, #tpu.memory_space<vmem>> -> memref<1x128xi32, #tpu.memory_space<vmem>>
    %dma_wait3A_49 = tpu.memref_squeeze %dma_wait3A_48 : memref<1x128xi32, #tpu.memory_space<vmem>> -> memref<128xi32, #tpu.memory_space<vmem>>
    %dma_wait3A_50 = arith.constant 0 : i32
    %dma_wait3A_51 = arith.constant 0 : i32
    %dma_wait3A_52 = tpu.memref_slice %arg3[%dma_wait3A_50, %dma_wait3A_51] : memref<304x128xf32, #tpu.memory_space<hbm>> -> memref<304x128xf32, #tpu.memory_space<hbm>>
    tpu.wait_indirect_dma semaphore(%arg7 : memref<!tpu.dma_semaphore, #tpu.memory_space<semaphore_mem>>) src(%dma_wait3A_52 : memref<304x128xf32, #tpu.memory_space<hbm>>) dst(%dma_wait3A_46 : memref<128x128xf32, #tpu.memory_space<vmem>>)
    %add3A_53 = arith.constant 0 : i32
    %add3A_54 = arith.addi %mul3A_2, %add3A_53 : i32
    %dma_start3A_55 = arith.constant 0 : i32
    %dma_start3A_56 = arith.constant 0 : i32
    %dma_start3A_57 = tpu.memref_slice %arg6[%dma_start3A_55, %dma_start3A_56] : memref<512x128xf32, #tpu.memory_space<vmem>> -> memref<128x128xf32, #tpu.memory_space<vmem>>
    %dma_start3A_58 = arith.constant 0 : i32
    %dma_start3A_59 = tpu.memref_slice %arg4[%add3A_54, %dma_start3A_58] : memref<16384x128xf32, #tpu.memory_space<hbm>> -> memref<128x128xf32, #tpu.memory_space<hbm>>
    %dma_start3A_60 = arith.constant 0 : i32
    %dma_start3A_61 = tpu.memref_slice %arg4[%add3A_54, %dma_start3A_60] : memref<16384x128xf32, #tpu.memory_space<hbm>> -> memref<128x128xf32, #tpu.memory_space<hbm>>
    %dma_start3A_62 = arith.constant 0 : i32
    %dma_start3A_63 = arith.constant 0 : i32
    %dma_start3A_64 = tpu.memref_slice %arg6[%dma_start3A_62, %dma_start3A_63] : memref<512x128xf32, #tpu.memory_space<vmem>> -> memref<128x128xf32, #tpu.memory_space<vmem>>
    tpu.enqueue_dma source(%dma_start3A_64 : memref<128x128xf32, #tpu.memory_space<vmem>>) target(%dma_start3A_61 : memref<128x128xf32, #tpu.memory_space<hbm>>) target_semaphore(%arg8 : memref<!tpu.dma_semaphore, #tpu.memory_space<semaphore_mem>>)
    %dma_wait3A_65 = arith.constant 1 : i32
    %dma_wait3A_66 = arith.constant 128 : i32
    %dma_wait3A_67 = arith.constant 0 : i32
    %dma_wait3A_68 = tpu.memref_slice %arg6[%dma_wait3A_66, %dma_wait3A_67] : memref<512x128xf32, #tpu.memory_space<vmem>> -> memref<128x128xf32, #tpu.memory_space<vmem>>
    %dma_wait3A_69 = arith.constant 0 : i32
    %dma_wait3A_70 = tpu.memref_slice %arg5[%dma_wait3A_65, %dma_wait3A_69] : memref<4x128xi32, #tpu.memory_space<vmem>> -> memref<1x128xi32, #tpu.memory_space<vmem>>
    %dma_wait3A_71 = tpu.memref_squeeze %dma_wait3A_70 : memref<1x128xi32, #tpu.memory_space<vmem>> -> memref<128xi32, #tpu.memory_space<vmem>>
    %dma_wait3A_72 = arith.constant 0 : i32
    %dma_wait3A_73 = arith.constant 0 : i32
    %dma_wait3A_74 = tpu.memref_slice %arg3[%dma_wait3A_72, %dma_wait3A_73] : memref<304x128xf32, #tpu.memory_space<hbm>> -> memref<304x128xf32, #tpu.memory_space<hbm>>
    tpu.wait_indirect_dma semaphore(%arg7 : memref<!tpu.dma_semaphore, #tpu.memory_space<semaphore_mem>>) src(%dma_wait3A_74 : memref<304x128xf32, #tpu.memory_space<hbm>>) dst(%dma_wait3A_68 : memref<128x128xf32, #tpu.memory_space<vmem>>)
    %add3A_75 = arith.constant 128 : i32
    %add3A_76 = arith.addi %mul3A_2, %add3A_75 : i32
    %dma_start3A_77 = arith.constant 128 : i32
    %dma_start3A_78 = arith.constant 0 : i32
    %dma_start3A_79 = tpu.memref_slice %arg6[%dma_start3A_77, %dma_start3A_78] : memref<512x128xf32, #tpu.memory_space<vmem>> -> memref<128x128xf32, #tpu.memory_space<vmem>>
    %dma_start3A_80 = arith.constant 0 : i32
    %dma_start3A_81 = tpu.memref_slice %arg4[%add3A_76, %dma_start3A_80] : memref<16384x128xf32, #tpu.memory_space<hbm>> -> memref<128x128xf32, #tpu.memory_space<hbm>>
    %dma_start3A_82 = arith.constant 0 : i32
    %dma_start3A_83 = tpu.memref_slice %arg4[%add3A_76, %dma_start3A_82] : memref<16384x128xf32, #tpu.memory_space<hbm>> -> memref<128x128xf32, #tpu.memory_space<hbm>>
    %dma_start3A_84 = arith.constant 128 : i32
    %dma_start3A_85 = arith.constant 0 : i32
    %dma_start3A_86 = tpu.memref_slice %arg6[%dma_start3A_84, %dma_start3A_85] : memref<512x128xf32, #tpu.memory_space<vmem>> -> memref<128x128xf32, #tpu.memory_space<vmem>>
    tpu.enqueue_dma source(%dma_start3A_86 : memref<128x128xf32, #tpu.memory_space<vmem>>) target(%dma_start3A_83 : memref<128x128xf32, #tpu.memory_space<hbm>>) target_semaphore(%arg8 : memref<!tpu.dma_semaphore, #tpu.memory_space<semaphore_mem>>)
    %dma_wait3A_87 = arith.constant 2 : i32
    %dma_wait3A_88 = arith.constant 256 : i32
    %dma_wait3A_89 = arith.constant 0 : i32
    %dma_wait3A_90 = tpu.memref_slice %arg6[%dma_wait3A_88, %dma_wait3A_89] : memref<512x128xf32, #tpu.memory_space<vmem>> -> memref<128x128xf32, #tpu.memory_space<vmem>>
    %dma_wait3A_91 = arith.constant 0 : i32
    %dma_wait3A_92 = tpu.memref_slice %arg5[%dma_wait3A_87, %dma_wait3A_91] : memref<4x128xi32, #tpu.memory_space<vmem>> -> memref<1x128xi32, #tpu.memory_space<vmem>>
    %dma_wait3A_93 = tpu.memref_squeeze %dma_wait3A_92 : memref<1x128xi32, #tpu.memory_space<vmem>> -> memref<128xi32, #tpu.memory_space<vmem>>
    %dma_wait3A_94 = arith.constant 0 : i32
    %dma_wait3A_95 = arith.constant 0 : i32
    %dma_wait3A_96 = tpu.memref_slice %arg3[%dma_wait3A_94, %dma_wait3A_95] : memref<304x128xf32, #tpu.memory_space<hbm>> -> memref<304x128xf32, #tpu.memory_space<hbm>>
    tpu.wait_indirect_dma semaphore(%arg7 : memref<!tpu.dma_semaphore, #tpu.memory_space<semaphore_mem>>) src(%dma_wait3A_96 : memref<304x128xf32, #tpu.memory_space<hbm>>) dst(%dma_wait3A_90 : memref<128x128xf32, #tpu.memory_space<vmem>>)
    %add3A_97 = arith.constant 256 : i32
    %add3A_98 = arith.addi %mul3A_2, %add3A_97 : i32
    %dma_start3A_99 = arith.constant 256 : i32
    %dma_start3A_100 = arith.constant 0 : i32
    %dma_start3A_101 = tpu.memref_slice %arg6[%dma_start3A_99, %dma_start3A_100] : memref<512x128xf32, #tpu.memory_space<vmem>> -> memref<128x128xf32, #tpu.memory_space<vmem>>
    %dma_start3A_102 = arith.constant 0 : i32
    %dma_start3A_103 = tpu.memref_slice %arg4[%add3A_98, %dma_start3A_102] : memref<16384x128xf32, #tpu.memory_space<hbm>> -> memref<128x128xf32, #tpu.memory_space<hbm>>
    %dma_start3A_104 = arith.constant 0 : i32
    %dma_start3A_105 = tpu.memref_slice %arg4[%add3A_98, %dma_start3A_104] : memref<16384x128xf32, #tpu.memory_space<hbm>> -> memref<128x128xf32, #tpu.memory_space<hbm>>
    %dma_start3A_106 = arith.constant 256 : i32
    %dma_start3A_107 = arith.constant 0 : i32
    %dma_start3A_108 = tpu.memref_slice %arg6[%dma_start3A_106, %dma_start3A_107] : memref<512x128xf32, #tpu.memory_space<vmem>> -> memref<128x128xf32, #tpu.memory_space<vmem>>
    tpu.enqueue_dma source(%dma_start3A_108 : memref<128x128xf32, #tpu.memory_space<vmem>>) target(%dma_start3A_105 : memref<128x128xf32, #tpu.memory_space<hbm>>) target_semaphore(%arg8 : memref<!tpu.dma_semaphore, #tpu.memory_space<semaphore_mem>>)
    %dma_wait3A_109 = arith.constant 3 : i32
    %dma_wait3A_110 = arith.constant 384 : i32
    %dma_wait3A_111 = arith.constant 0 : i32
    %dma_wait3A_112 = tpu.memref_slice %arg6[%dma_wait3A_110, %dma_wait3A_111] : memref<512x128xf32, #tpu.memory_space<vmem>> -> memref<128x128xf32, #tpu.memory_space<vmem>>
    %dma_wait3A_113 = arith.constant 0 : i32
    %dma_wait3A_114 = tpu.memref_slice %arg5[%dma_wait3A_109, %dma_wait3A_113] : memref<4x128xi32, #tpu.memory_space<vmem>> -> memref<1x128xi32, #tpu.memory_space<vmem>>
    %dma_wait3A_115 = tpu.memref_squeeze %dma_wait3A_114 : memref<1x128xi32, #tpu.memory_space<vmem>> -> memref<128xi32, #tpu.memory_space<vmem>>
    %dma_wait3A_116 = arith.constant 0 : i32
    %dma_wait3A_117 = arith.constant 0 : i32
    %dma_wait3A_118 = tpu.memref_slice %arg3[%dma_wait3A_116, %dma_wait3A_117] : memref<304x128xf32, #tpu.memory_space<hbm>> -> memref<304x128xf32, #tpu.memory_space<hbm>>
    tpu.wait_indirect_dma semaphore(%arg7 : memref<!tpu.dma_semaphore, #tpu.memory_space<semaphore_mem>>) src(%dma_wait3A_118 : memref<304x128xf32, #tpu.memory_space<hbm>>) dst(%dma_wait3A_112 : memref<128x128xf32, #tpu.memory_space<vmem>>)
    %add3A_119 = arith.constant 384 : i32
    %add3A_120 = arith.addi %mul3A_2, %add3A_119 : i32
    %dma_start3A_121 = arith.constant 384 : i32
    %dma_start3A_122 = arith.constant 0 : i32
    %dma_start3A_123 = tpu.memref_slice %arg6[%dma_start3A_121, %dma_start3A_122] : memref<512x128xf32, #tpu.memory_space<vmem>> -> memref<128x128xf32, #tpu.memory_space<vmem>>
    %dma_start3A_124 = arith.constant 0 : i32
    %dma_start3A_125 = tpu.memref_slice %arg4[%add3A_120, %dma_start3A_124] : memref<16384x128xf32, #tpu.memory_space<hbm>> -> memref<128x128xf32, #tpu.memory_space<hbm>>
    %dma_start3A_126 = arith.constant 0 : i32
    %dma_start3A_127 = tpu.memref_slice %arg4[%add3A_120, %dma_start3A_126] : memref<16384x128xf32, #tpu.memory_space<hbm>> -> memref<128x128xf32, #tpu.memory_space<hbm>>
    %dma_start3A_128 = arith.constant 384 : i32
    %dma_start3A_129 = arith.constant 0 : i32
    %dma_start3A_130 = tpu.memref_slice %arg6[%dma_start3A_128, %dma_start3A_129] : memref<512x128xf32, #tpu.memory_space<vmem>> -> memref<128x128xf32, #tpu.memory_space<vmem>>
    tpu.enqueue_dma source(%dma_start3A_130 : memref<128x128xf32, #tpu.memory_space<vmem>>) target(%dma_start3A_127 : memref<128x128xf32, #tpu.memory_space<hbm>>) target_semaphore(%arg8 : memref<!tpu.dma_semaphore, #tpu.memory_space<semaphore_mem>>)
    %dma_wait3A_131 = arith.constant 0 : i32
    %dma_wait3A_132 = arith.constant 0 : i32
    %dma_wait3A_133 = tpu.memref_slice %arg6[%dma_wait3A_131, %dma_wait3A_132] : memref<512x128xf32, #tpu.memory_space<vmem>> -> memref<128x128xf32, #tpu.memory_space<vmem>>
    %dma_wait3A_134 = arith.constant 0 : i32
    %dma_wait3A_135 = tpu.memref_slice %arg4[%add3A_54, %dma_wait3A_134] : memref<16384x128xf32, #tpu.memory_space<hbm>> -> memref<128x128xf32, #tpu.memory_space<hbm>>
    %dma_wait3A_136 = arith.constant 0 : i32
    %dma_wait3A_137 = tpu.memref_slice %arg4[%add3A_54, %dma_wait3A_136] : memref<16384x128xf32, #tpu.memory_space<hbm>> -> memref<128x128xf32, #tpu.memory_space<hbm>>
    %dma_wait3A_138 = arith.constant 0 : i32
    %dma_wait3A_139 = arith.constant 0 : i32
    %dma_wait3A_140 = tpu.memref_slice %arg6[%dma_wait3A_138, %dma_wait3A_139] : memref<512x128xf32, #tpu.memory_space<vmem>> -> memref<128x128xf32, #tpu.memory_space<vmem>>
    tpu.wait_dma2 semaphore(%arg8 : memref<!tpu.dma_semaphore, #tpu.memory_space<semaphore_mem>>) src(%dma_wait3A_140 : memref<128x128xf32, #tpu.memory_space<vmem>>) dst(%dma_wait3A_137 : memref<128x128xf32, #tpu.memory_space<hbm>>)
    %dma_wait3A_141 = arith.constant 128 : i32
    %dma_wait3A_142 = arith.constant 0 : i32
    %dma_wait3A_143 = tpu.memref_slice %arg6[%dma_wait3A_141, %dma_wait3A_142] : memref<512x128xf32, #tpu.memory_space<vmem>> -> memref<128x128xf32, #tpu.memory_space<vmem>>
    %dma_wait3A_144 = arith.constant 0 : i32
    %dma_wait3A_145 = tpu.memref_slice %arg4[%add3A_76, %dma_wait3A_144] : memref<16384x128xf32, #tpu.memory_space<hbm>> -> memref<128x128xf32, #tpu.memory_space<hbm>>
    %dma_wait3A_146 = arith.constant 0 : i32
    %dma_wait3A_147 = tpu.memref_slice %arg4[%add3A_76, %dma_wait3A_146] : memref<16384x128xf32, #tpu.memory_space<hbm>> -> memref<128x128xf32, #tpu.memory_space<hbm>>
    %dma_wait3A_148 = arith.constant 128 : i32
    %dma_wait3A_149 = arith.constant 0 : i32
    %dma_wait3A_150 = tpu.memref_slice %arg6[%dma_wait3A_148, %dma_wait3A_149] : memref<512x128xf32, #tpu.memory_space<vmem>> -> memref<128x128xf32, #tpu.memory_space<vmem>>
    tpu.wait_dma2 semaphore(%arg8 : memref<!tpu.dma_semaphore, #tpu.memory_space<semaphore_mem>>) src(%dma_wait3A_150 : memref<128x128xf32, #tpu.memory_space<vmem>>) dst(%dma_wait3A_147 : memref<128x128xf32, #tpu.memory_space<hbm>>)
    %dma_wait3A_151 = arith.constant 256 : i32
    %dma_wait3A_152 = arith.constant 0 : i32
    %dma_wait3A_153 = tpu.memref_slice %arg6[%dma_wait3A_151, %dma_wait3A_152] : memref<512x128xf32, #tpu.memory_space<vmem>> -> memref<128x128xf32, #tpu.memory_space<vmem>>
    %dma_wait3A_154 = arith.constant 0 : i32
    %dma_wait3A_155 = tpu.memref_slice %arg4[%add3A_98, %dma_wait3A_154] : memref<16384x128xf32, #tpu.memory_space<hbm>> -> memref<128x128xf32, #tpu.memory_space<hbm>>
    %dma_wait3A_156 = arith.constant 0 : i32
    %dma_wait3A_157 = tpu.memref_slice %arg4[%add3A_98, %dma_wait3A_156] : memref<16384x128xf32, #tpu.memory_space<hbm>> -> memref<128x128xf32, #tpu.memory_space<hbm>>
    %dma_wait3A_158 = arith.constant 256 : i32
    %dma_wait3A_159 = arith.constant 0 : i32
    %dma_wait3A_160 = tpu.memref_slice %arg6[%dma_wait3A_158, %dma_wait3A_159] : memref<512x128xf32, #tpu.memory_space<vmem>> -> memref<128x128xf32, #tpu.memory_space<vmem>>
    tpu.wait_dma2 semaphore(%arg8 : memref<!tpu.dma_semaphore, #tpu.memory_space<semaphore_mem>>) src(%dma_wait3A_160 : memref<128x128xf32, #tpu.memory_space<vmem>>) dst(%dma_wait3A_157 : memref<128x128xf32, #tpu.memory_space<hbm>>)
    %dma_wait3A_161 = arith.constant 384 : i32
    %dma_wait3A_162 = arith.constant 0 : i32
    %dma_wait3A_163 = tpu.memref_slice %arg6[%dma_wait3A_161, %dma_wait3A_162] : memref<512x128xf32, #tpu.memory_space<vmem>> -> memref<128x128xf32, #tpu.memory_space<vmem>>
    %dma_wait3A_164 = arith.constant 0 : i32
    %dma_wait3A_165 = tpu.memref_slice %arg4[%add3A_120, %dma_wait3A_164] : memref<16384x128xf32, #tpu.memory_space<hbm>> -> memref<128x128xf32, #tpu.memory_space<hbm>>
    %dma_wait3A_166 = arith.constant 0 : i32
    %dma_wait3A_167 = tpu.memref_slice %arg4[%add3A_120, %dma_wait3A_166] : memref<16384x128xf32, #tpu.memory_space<hbm>> -> memref<128x128xf32, #tpu.memory_space<hbm>>
    %dma_wait3A_168 = arith.constant 384 : i32
    %dma_wait3A_169 = arith.constant 0 : i32
    %dma_wait3A_170 = tpu.memref_slice %arg6[%dma_wait3A_168, %dma_wait3A_169] : memref<512x128xf32, #tpu.memory_space<vmem>> -> memref<128x128xf32, #tpu.memory_space<vmem>>
    tpu.wait_dma2 semaphore(%arg8 : memref<!tpu.dma_semaphore, #tpu.memory_space<semaphore_mem>>) src(%dma_wait3A_170 : memref<128x128xf32, #tpu.memory_space<vmem>>) dst(%dma_wait3A_167 : memref<128x128xf32, #tpu.memory_space<hbm>>)
    return
  }
}

module attributes {stable_mosaic.version = 14 : i64} {
  func.func @_table_body(%arg0: memref<128x128xi32, #tpu.memory_space<vmem>>, %arg1: memref<128x128xi32, #tpu.memory_space<vmem>>, %arg2: memref<128x128xi32, #tpu.memory_space<vmem>>, %arg3: memref<2x32xf32, #tpu.memory_space<vmem>>, %arg4: memref<7x32xf32, #tpu.memory_space<vmem>>, %arg5: memref<21x32xf32, #tpu.memory_space<vmem>>, %arg6: memref<96x128xf32, #tpu.memory_space<vmem>>, %arg7: memref<1x128xf32, #tpu.memory_space<vmem>>, %arg8: memref<128x32xf32, #tpu.memory_space<vmem>>, %arg9: memref<1x32xf32, #tpu.memory_space<vmem>>, %arg10: memref<304x128xf32, #tpu.memory_space<vmem>>, %arg11: memref<128x128xi32, #tpu.memory_space<vmem>>) attributes {dimension_semantics = [], scalar_prefetch = 0 : i64, scratch_operands = 0 : i64, tpu.core_type = #tpu.core_type<tc>} {
    %get3A = arith.constant 0 : index
    %get3A_0 = arith.constant 0 : index
    %get3A_1 = vector.load %arg0[%get3A, %get3A_0] : memref<128x128xi32, #tpu.memory_space<vmem>>, vector<128x128xi32>
    %mul3A = arith.constant 147 : i32
    %mul3A_2 = vector.broadcast %mul3A : i32 to vector<128x128xi32>
    %mul3A_3 = arith.muli %get3A_1, %mul3A_2 : vector<128x128xi32>
    %get3A_4 = arith.constant 0 : index
    %get3A_5 = arith.constant 0 : index
    %get3A_6 = vector.load %arg1[%get3A_4, %get3A_5] : memref<128x128xi32, #tpu.memory_space<vmem>>, vector<128x128xi32>
    %mul3A_7 = arith.constant 21 : i32
    %mul3A_8 = vector.broadcast %mul3A_7 : i32 to vector<128x128xi32>
    %mul3A_9 = arith.muli %get3A_6, %mul3A_8 : vector<128x128xi32>
    %add3A = arith.addi %mul3A_3, %mul3A_9 : vector<128x128xi32>
    %get3A_10 = arith.constant 0 : index
    %get3A_11 = arith.constant 0 : index
    %get3A_12 = vector.load %arg2[%get3A_10, %get3A_11] : memref<128x128xi32, #tpu.memory_space<vmem>>, vector<128x128xi32>
    %add3A_13 = arith.addi %add3A, %get3A_12 : vector<128x128xi32>
    %swap3A = arith.constant 0 : index
    %swap3A_14 = arith.constant 0 : index
    %swap3A_15 = vector.load %arg11[%swap3A, %swap3A_14] : memref<128x128xi32, #tpu.memory_space<vmem>>, vector<128x128xi32>
    tpu.vector_store %arg11[%swap3A, %swap3A_14], %add3A_13 {strides = array<i32>} : memref<128x128xi32, #tpu.memory_space<vmem>>, vector<128x128xi32>,
    %iota3A = tpu.iota {dimensions = array<i32: 0>} : vector<304x1xi32>
    %jit3A = arith.constant 147 : i32
    %div3A = vector.broadcast %jit3A : i32 to vector<304x1xi32>
    %div3A_16 = arith.divsi %iota3A, %div3A : vector<304x1xi32>
    %sign3A = arith.constant 0 : i32
    %sign3A_17 = vector.broadcast %sign3A : i32 to vector<304x1xi32>
    %sign3A_18 = arith.cmpi sgt, %iota3A, %sign3A_17 : vector<304x1xi32>
    %sign3A_19 = arith.extui %sign3A_18 : vector<304x1xi1> to vector<304x1xi32>
    %sign3A_20 = arith.constant 0 : i32
    %sign3A_21 = vector.broadcast %sign3A_20 : i32 to vector<304x1xi32>
    %sign3A_22 = arith.cmpi slt, %iota3A, %sign3A_21 : vector<304x1xi32>
    %sign3A_23 = arith.extui %sign3A_22 : vector<304x1xi1> to vector<304x1xi32>
    %sign3A_24 = arith.subi %sign3A_19, %sign3A_23 : vector<304x1xi32>
    %sign3A_25 = arith.constant 0 : i32
    %sign3A_26 = arith.cmpi sgt, %jit3A, %sign3A_25 : i32
    %sign3A_27 = arith.extui %sign3A_26 : i1 to i32
    %sign3A_28 = arith.constant 0 : i32
    %sign3A_29 = arith.cmpi slt, %jit3A, %sign3A_28 : i32
    %sign3A_30 = arith.extui %sign3A_29 : i1 to i32
    %sign3A_31 = arith.subi %sign3A_27, %sign3A_30 : i32
    %ne3A = vector.broadcast %sign3A_31 : i32 to vector<304x1xi32>
    %ne3A_32 = arith.cmpi ne, %sign3A_24, %ne3A : vector<304x1xi32>
    %rem3A = vector.broadcast %jit3A : i32 to vector<304x1xi32>
    %rem3A_33 = arith.remsi %iota3A, %rem3A : vector<304x1xi32>
    %ne3A_34 = arith.constant 0 : i32
    %ne3A_35 = vector.broadcast %ne3A_34 : i32 to vector<304x1xi32>
    %ne3A_36 = arith.cmpi ne, %rem3A_33, %ne3A_35 : vector<304x1xi32>
    %and3A = arith.andi %ne3A_32, %ne3A_36 : vector<304x1xi1>
    %sub3A = arith.constant 1 : i32
    %sub3A_37 = vector.broadcast %sub3A : i32 to vector<304x1xi32>
    %sub3A_38 = arith.subi %div3A_16, %sub3A_37 : vector<304x1xi32>
    %select_n3A = arith.select %and3A, %sub3A_38, %div3A_16 : vector<304x1xi1>, vector<304x1xi32>
    %jit3A_39 = arith.constant 21 : i32
    %div3A_40 = vector.broadcast %jit3A_39 : i32 to vector<304x1xi32>
    %div3A_41 = arith.divsi %iota3A, %div3A_40 : vector<304x1xi32>
    %sign3A_42 = arith.constant 0 : i32
    %sign3A_43 = vector.broadcast %sign3A_42 : i32 to vector<304x1xi32>
    %sign3A_44 = arith.cmpi sgt, %iota3A, %sign3A_43 : vector<304x1xi32>
    %sign3A_45 = arith.extui %sign3A_44 : vector<304x1xi1> to vector<304x1xi32>
    %sign3A_46 = arith.constant 0 : i32
    %sign3A_47 = vector.broadcast %sign3A_46 : i32 to vector<304x1xi32>
    %sign3A_48 = arith.cmpi slt, %iota3A, %sign3A_47 : vector<304x1xi32>
    %sign3A_49 = arith.extui %sign3A_48 : vector<304x1xi1> to vector<304x1xi32>
    %sign3A_50 = arith.subi %sign3A_45, %sign3A_49 : vector<304x1xi32>
    %sign3A_51 = arith.constant 0 : i32
    %sign3A_52 = arith.cmpi sgt, %jit3A_39, %sign3A_51 : i32
    %sign3A_53 = arith.extui %sign3A_52 : i1 to i32
    %sign3A_54 = arith.constant 0 : i32
    %sign3A_55 = arith.cmpi slt, %jit3A_39, %sign3A_54 : i32
    %sign3A_56 = arith.extui %sign3A_55 : i1 to i32
    %sign3A_57 = arith.subi %sign3A_53, %sign3A_56 : i32
    %ne3A_58 = vector.broadcast %sign3A_57 : i32 to vector<304x1xi32>
    %ne3A_59 = arith.cmpi ne, %sign3A_50, %ne3A_58 : vector<304x1xi32>
    %rem3A_60 = vector.broadcast %jit3A_39 : i32 to vector<304x1xi32>
    %rem3A_61 = arith.remsi %iota3A, %rem3A_60 : vector<304x1xi32>
    %ne3A_62 = arith.constant 0 : i32
    %ne3A_63 = vector.broadcast %ne3A_62 : i32 to vector<304x1xi32>
    %ne3A_64 = arith.cmpi ne, %rem3A_61, %ne3A_63 : vector<304x1xi32>
    %and3A_65 = arith.andi %ne3A_59, %ne3A_64 : vector<304x1xi1>
    %sub3A_66 = arith.constant 1 : i32
    %sub3A_67 = vector.broadcast %sub3A_66 : i32 to vector<304x1xi32>
    %sub3A_68 = arith.subi %div3A_41, %sub3A_67 : vector<304x1xi32>
    %select_n3A_69 = arith.select %and3A_65, %sub3A_68, %div3A_41 : vector<304x1xi1>, vector<304x1xi32>
    %jit3A_70 = arith.constant 7 : i32
    %eq3A = arith.constant 0 : i32
    %eq3A_71 = arith.cmpi eq, %jit3A_70, %eq3A : i32
    %jit3A_72 = arith.constant 1 : i32
    %select_n3A_73 = arith.select %eq3A_71, %jit3A_72, %jit3A_70 : i32
    %rem3A_74 = vector.broadcast %select_n3A_73 : i32 to vector<304x1xi32>
    %rem3A_75 = arith.remsi %select_n3A_69, %rem3A_74 : vector<304x1xi32>
    %ne3A_76 = arith.constant 0 : i32
    %ne3A_77 = vector.broadcast %ne3A_76 : i32 to vector<304x1xi32>
    %ne3A_78 = arith.cmpi ne, %rem3A_75, %ne3A_77 : vector<304x1xi32>
    %lt3A = arith.constant 0 : i32
    %lt3A_79 = vector.broadcast %lt3A : i32 to vector<304x1xi32>
    %lt3A_80 = arith.cmpi slt, %rem3A_75, %lt3A_79 : vector<304x1xi32>
    %lt3A_81 = arith.constant 0 : i32
    %lt3A_82 = arith.cmpi slt, %select_n3A_73, %lt3A_81 : i32
    %ne3A_83 = vector.broadcast %lt3A_82 : i1 to vector<304x1xi1>
    %ne3A_84 = vector.broadcast %ne3A_83 : vector<304x1xi1> to vector<304x1xi1>
    %ne3A_85 = arith.xori %lt3A_80, %ne3A_84 : vector<304x1xi1>
    %and3A_86 = arith.andi %ne3A_85, %ne3A_78 : vector<304x1xi1>
    %add3A_87 = vector.broadcast %select_n3A_73 : i32 to vector<304x1xi32>
    %add3A_88 = arith.addi %rem3A_75, %add3A_87 : vector<304x1xi32>
    %select_n3A_89 = arith.select %and3A_86, %add3A_88, %rem3A_75 : vector<304x1xi1>, vector<304x1xi32>
    %jit3A_90 = arith.constant 21 : i32
    %eq3A_91 = arith.constant 0 : i32
    %eq3A_92 = arith.cmpi eq, %jit3A_90, %eq3A_91 : i32
    %jit3A_93 = arith.constant 1 : i32
    %select_n3A_94 = arith.select %eq3A_92, %jit3A_93, %jit3A_90 : i32
    %rem3A_95 = vector.broadcast %select_n3A_94 : i32 to vector<304x1xi32>
    %rem3A_96 = arith.remsi %iota3A, %rem3A_95 : vector<304x1xi32>
    %ne3A_97 = arith.constant 0 : i32
    %ne3A_98 = vector.broadcast %ne3A_97 : i32 to vector<304x1xi32>
    %ne3A_99 = arith.cmpi ne, %rem3A_96, %ne3A_98 : vector<304x1xi32>
    %lt3A_100 = arith.constant 0 : i32
    %lt3A_101 = vector.broadcast %lt3A_100 : i32 to vector<304x1xi32>
    %lt3A_102 = arith.cmpi slt, %rem3A_96, %lt3A_101 : vector<304x1xi32>
    %lt3A_103 = arith.constant 0 : i32
    %lt3A_104 = arith.cmpi slt, %select_n3A_94, %lt3A_103 : i32
    %ne3A_105 = vector.broadcast %lt3A_104 : i1 to vector<304x1xi1>
    %ne3A_106 = vector.broadcast %ne3A_105 : vector<304x1xi1> to vector<304x1xi1>
    %ne3A_107 = arith.xori %lt3A_102, %ne3A_106 : vector<304x1xi1>
    %and3A_108 = arith.andi %ne3A_107, %ne3A_99 : vector<304x1xi1>
    %add3A_109 = vector.broadcast %select_n3A_94 : i32 to vector<304x1xi32>
    %add3A_110 = arith.addi %rem3A_96, %add3A_109 : vector<304x1xi32>
    %select_n3A_111 = arith.select %and3A_108, %add3A_110, %rem3A_96 : vector<304x1xi1>, vector<304x1xi32>
    %iota3A_112 = tpu.iota {dimensions = array<i32: 1>} : vector<304x2xi32>
    %eq3A_113 = vector.broadcast %select_n3A : vector<304x1xi32> to vector<304x2xi32>
    %eq3A_114 = arith.cmpi eq, %eq3A_113, %iota3A_112 : vector<304x2xi32>
    %convert_element_type3A = arith.extui %eq3A_114 : vector<304x2xi1> to vector<304x2xi32>
    %convert_element_type3A_115 = arith.sitofp %convert_element_type3A : vector<304x2xi32> to vector<304x2xf32>
    %iota3A_116 = tpu.iota {dimensions = array<i32: 1>} : vector<304x7xi32>
    %eq3A_117 = vector.broadcast %select_n3A_89 : vector<304x1xi32> to vector<304x7xi32>
    %eq3A_118 = arith.cmpi eq, %eq3A_117, %iota3A_116 : vector<304x7xi32>
    %convert_element_type3A_119 = arith.extui %eq3A_118 : vector<304x7xi1> to vector<304x7xi32>
    %convert_element_type3A_120 = arith.sitofp %convert_element_type3A_119 : vector<304x7xi32> to vector<304x7xf32>
    %iota3A_121 = tpu.iota {dimensions = array<i32: 1>} : vector<304x21xi32>
    %eq3A_122 = vector.broadcast %select_n3A_111 : vector<304x1xi32> to vector<304x21xi32>
    %eq3A_123 = arith.cmpi eq, %eq3A_122, %iota3A_121 : vector<304x21xi32>
    %convert_element_type3A_124 = arith.extui %eq3A_123 : vector<304x21xi1> to vector<304x21xi32>
    %convert_element_type3A_125 = arith.sitofp %convert_element_type3A_124 : vector<304x21xi32> to vector<304x21xf32>
    %get3A_126 = arith.constant 0 : index
    %get3A_127 = arith.constant 0 : index
    %get3A_128 = vector.load %arg3[%get3A_126, %get3A_127] : memref<2x32xf32, #tpu.memory_space<vmem>>, vector<2x32xf32>
    %dot_general3A = arith.constant dense<0.000000e+00> : vector<304x32xf32>
    %dot_general3A_129 = tpu.matmul %convert_element_type3A_115, %get3A_128, %dot_general3A {dimension_numbers = #tpu.dot_dimension_numbers<[1], [0], [0], [1], [0, 0, 1, 1], [], []>, transpose_lhs_hint = false} : vector<304x2xf32>, vector<2x32xf32>, vector<304x32xf32> -> vector<304x32xf32>
    %get3A_130 = arith.constant 0 : index
    %get3A_131 = arith.constant 0 : index
    %get3A_132 = vector.load %arg4[%get3A_130, %get3A_131] : memref<7x32xf32, #tpu.memory_space<vmem>>, vector<7x32xf32>
    %dot_general3A_133 = arith.constant dense<0.000000e+00> : vector<304x32xf32>
    %dot_general3A_134 = tpu.matmul %convert_element_type3A_120, %get3A_132, %dot_general3A_133 {dimension_numbers = #tpu.dot_dimension_numbers<[1], [0], [0], [1], [0, 0, 1, 1], [], []>, transpose_lhs_hint = false} : vector<304x7xf32>, vector<7x32xf32>, vector<304x32xf32> -> vector<304x32xf32>
    %get3A_135 = arith.constant 0 : index
    %get3A_136 = arith.constant 0 : index
    %get3A_137 = vector.load %arg5[%get3A_135, %get3A_136] : memref<21x32xf32, #tpu.memory_space<vmem>>, vector<21x32xf32>
    %dot_general3A_138 = arith.constant dense<0.000000e+00> : vector<304x32xf32>
    %dot_general3A_139 = tpu.matmul %convert_element_type3A_125, %get3A_137, %dot_general3A_138 {dimension_numbers = #tpu.dot_dimension_numbers<[1], [0], [0], [1], [0, 0, 1, 1], [], []>, transpose_lhs_hint = false} : vector<304x21xf32>, vector<21x32xf32>, vector<304x32xf32> -> vector<304x32xf32>
    %concatenate3A = tpu.concatenate %dot_general3A_129, %dot_general3A_134, %dot_general3A_139 in 1 : vector<304x32xf32>, vector<304x32xf32>, vector<304x32xf32> -> vector<304x96xf32>
    %get3A_140 = arith.constant 0 : index
    %get3A_141 = arith.constant 0 : index
    %get3A_142 = vector.load %arg6[%get3A_140, %get3A_141] : memref<96x128xf32, #tpu.memory_space<vmem>>, vector<96x128xf32>
    %dot_general3A_143 = arith.constant dense<0.000000e+00> : vector<304x128xf32>
    %dot_general3A_144 = tpu.matmul %concatenate3A, %get3A_142, %dot_general3A_143 {dimension_numbers = #tpu.dot_dimension_numbers<[1], [0], [0], [1], [0, 0, 1, 1], [], []>, transpose_lhs_hint = false} : vector<304x96xf32>, vector<96x128xf32>, vector<304x128xf32> -> vector<304x128xf32>
    %get3A_145 = arith.constant 0 : index
    %get3A_146 = arith.constant 0 : index
    %get3A_147 = vector.load %arg7[%get3A_145, %get3A_146] : memref<1x128xf32, #tpu.memory_space<vmem>>, vector<1x128xf32>
    %add3A_148 = vector.broadcast %get3A_147 : vector<1x128xf32> to vector<304x128xf32>
    %add3A_149 = arith.addf %dot_general3A_144, %add3A_148 : vector<304x128xf32>
    %max3A = arith.constant 0.000000e+00 : f32
    %max3A_150 = vector.broadcast %max3A : f32 to vector<304x128xf32>
    %max3A_151 = arith.maximumf %add3A_149, %max3A_150 : vector<304x128xf32>
    %get3A_152 = arith.constant 0 : index
    %get3A_153 = arith.constant 0 : index
    %get3A_154 = vector.load %arg8[%get3A_152, %get3A_153] : memref<128x32xf32, #tpu.memory_space<vmem>>, vector<128x32xf32>
    %dot_general3A_155 = arith.constant dense<0.000000e+00> : vector<304x32xf32>
    %dot_general3A_156 = tpu.matmul %max3A_151, %get3A_154, %dot_general3A_155 {dimension_numbers = #tpu.dot_dimension_numbers<[1], [0], [0], [1], [0, 0, 1, 1], [], []>, transpose_lhs_hint = false} : vector<304x128xf32>, vector<128x32xf32>, vector<304x32xf32> -> vector<304x32xf32>
    %get3A_157 = arith.constant 0 : index
    %get3A_158 = arith.constant 0 : index
    %get3A_159 = vector.load %arg9[%get3A_157, %get3A_158] : memref<1x32xf32, #tpu.memory_space<vmem>>, vector<1x32xf32>
    %add3A_160 = vector.broadcast %get3A_159 : vector<1x32xf32> to vector<304x32xf32>
    %add3A_161 = arith.addf %dot_general3A_156, %add3A_160 : vector<304x32xf32>
    %mul3A_162 = arith.mulf %add3A_161, %add3A_161 : vector<304x32xf32>
    %reduce_sum3A = arith.constant dense<0.000000e+00> : vector<304xf32>
    %reduce_sum3A_163 = vector.multi_reduction <add>, %mul3A_162, %reduce_sum3A [1] : vector<304x32xf32> to vector<304xf32>
    %broadcast_in_dim3A = vector.shape_cast %reduce_sum3A_163 : vector<304xf32> to vector<304x1xf32>
    %sqrt3A = math.sqrt %broadcast_in_dim3A : vector<304x1xf32>
    %max3A_164 = arith.constant 9.99999996E-13 : f32
    %max3A_165 = vector.broadcast %max3A_164 : f32 to vector<304x1xf32>
    %max3A_166 = arith.maximumf %sqrt3A, %max3A_165 : vector<304x1xf32>
    %div3A_167 = vector.broadcast %max3A_166 : vector<304x1xf32> to vector<304x32xf32>
    %div3A_168 = arith.divf %add3A_161, %div3A_167 : vector<304x32xf32>
    %broadcast_in_dim3A_169 = arith.constant 0.000000e+00 : f32
    %broadcast_in_dim3A_170 = vector.broadcast %broadcast_in_dim3A_169 : f32 to vector<304x96xf32>
    %concatenate3A_171 = tpu.concatenate %div3A_168, %broadcast_in_dim3A_170 in 1 : vector<304x32xf32>, vector<304x96xf32> -> vector<304x128xf32>
    %swap3A_172 = arith.constant 0 : index
    %swap3A_173 = arith.constant 0 : index
    %swap3A_174 = vector.load %arg10[%swap3A_172, %swap3A_173] : memref<304x128xf32, #tpu.memory_space<vmem>>, vector<304x128xf32>
    tpu.vector_store %arg10[%swap3A_172, %swap3A_173], %concatenate3A_171 {strides = array<i32>} : memref<304x128xf32, #tpu.memory_space<vmem>>, vector<304x128xf32>,
    return
  }
}

</mosaic_0001>

<sc_bundles>
// kernel: kernel.4.cloned.1.call-start
scs
__scs_entry_jumppad:
0x0: {  	(pc) =	sbr.rel $0x88, $3  }
0x1: {  	(tag) =	ssettag $0x0;
	lr =	simm.s32 $0x1  }
0x2: {  	[smem:$0x3F97] =	sst lr;
	_ =	strace $0xD0000000  }
0x3: {  	_ = 	snop  }
0x4: {  	_ = 	snop  }
0x5: {  	_ = 	snop  }
0x6: {  	_ = 	snop  }
0x7: {  	_ = 	snop  }
__scs_overlays_trampoline_lowered:
0x8: {  	[smem:$0x3FA6] =	sst s0  }
0x9: {  	[smem:$0x3FA7] =	sst s1  }
0xa: {  	[smem:$0x3FA8] =	sst s2  }
0xb: {  	[smem:$0x3FA9] =	sst s3  }
0xc: {  	[smem:$0x3FAA] =	sst s4  }
0xd: {  	[smem:$0x3FAB] =	sst s5  }
0xe: {  	[smem:$0x3FAC] =	sst s6  }
0xf: {  	[smem:$0x3FAD] =	sst s7  }
0x10: {  	[smem:$0x3FAE] =	sst s8  }
0x11: {  	[smem:$0x3FAF] =	sst s9;
	s0 =	simm.s32 @!p0 $0x0  }
0x12: {  	s1 =	sld [smem:$0x3F95];
	s0 =	simm.s32 @p0 $0x1  }
0x13: {  	[smem:$0x3FB0] =	sst s0;
	s0 =	simm.s32 @!p1 $0x0  }
0x14: {  	s2 =	sld [smem:$0x3F94];
	s0 =	simm.s32 @p1 $0x1  }
0x15: {  	[smem:$0x3FB1] =	sst s0;
	s0 =	simm.s32 @!p2 $0x0  }
0x16: {  	s3 =	sld [smem:$0x3FDB];
	s0 =	simm.s32 @p2 $0x1  }
0x17: {  	s4 =	simm.s32 $0x1BF5;
	[smem:$0x3FB3] =	sst s0  }
0x18: {  	s0 =	sld [smem:$0x3F96];
	_ =	swait.ge [sflag:s4], $0x0  }
0x19: {  	s7 =	sld [smem:$0x3F97]  }
0x1a: {  	s8 =	sadd.s32 $0xFFFFE003, lr  }
0x1b: {  	s9 =	sadd.s32 $0xFFFFFEF7, lr;
	s5 =	simm.s32 $0xFFFFFFFF;
	p2 =	slt.u32 s8, $0xFFFFF086  }
0x1c: {  	p1 =	slt.u32 s9, $0xF7A;
	s5 =	simm.s32 @!p2 $0x0  }
0x1d: {  	s5 =	simm.s32 @p1 $0x1;
	p0 =	seq.s32 s7, s2  }
0x1e: {  	s7 =	smul.u32 @!p0 $0xF7A, s2;
	p2 =	seq.s32 @!p0 s5, $0x0  }
0x1f: {  	s9 =	smul.u32 $0xF7A, s1;
	s8 =	simm.s32 @!p0 $0x1BF5;
	p2 =	por !p2, p0  }
0x20: {  	[sflag:s8] =	ssyncset.s32 @!p0 $0xFFFFF086;
	s6 =	sadd.s32 @!p0 s3, s7;
	s7 =	simm.s32 @!p0 $0x108  }
0x21: {  	s3 =	sadd.s32 s3, s9;
	s6 =	sadd.s32 @!p0 $0x88, s6;
	s7 =	simm.s32 @p2 $0x1082  }
0x22: {  	[simem:s7], [sflag:s8] =	dma.local @!p0 [hbm:s6], $0xF7A  }
0x23: {  	s9 =	sor.u32 $0xD0000000, s2;
	s6 =	simm.s32 $0x108;
	_ =	swait.ge @!p0 [sflag:s8], $0x0  }
0x24: {  	s3 =	sadd.s32 $0x88, s3;
	s6 =	simm.s32 @!p1 $0x1082;
	[sflag:s4] =	ssyncset.s32 $0xFFFFF086  }
0x25: {  	[simem:s6], [sflag:s4] =	dma.local [hbm:s3], $0xF7A  }
0x26: {  	[smem:$0x3F97] =	sst s1;
	(tag) =	ssettag s2;
	_ =	strace s9  }
0x27: {  	s1 =	sld [smem:$0x3FA7]  }
0x28: {  	s2 =	sld [smem:$0x3FA8]  }
0x29: {  	s4 =	sld [smem:$0x3FAA]  }
0x2a: {  	p0 =	seq.s32 s5, $0x0;
	s5 =	sld [smem:$0x3FAB]  }
0x2b: {  	s6 =	sld [smem:$0x3FAC]  }
0x2c: {  	s7 =	sld [smem:$0x3FAD]  }
0x2d: {  	s3 =	simm.s32 $0x108;
	s8 =	sld [smem:$0x3FAE]  }
0x2e: {  	s3 =	simm.s32 @!p0 $0x1082;
	s9 =	sld [smem:$0x3FAF]  }
0x2f: {  	lr =	sadd.s32 s0, s3;
	s0 =	sld [smem:$0x3FA6]  }
0x30: {  	s3 =	sld [smem:$0x3FA9]  }
0x31: {  	[smem:$0x3FB2] =	sst s10  }
0x32: {  	s10 =	sld [smem:$0x3FB0];
	_ =	sdelay $0x3  }
0x33: {  	p0 =	seq.s32 s10, $0x1;
	s10 =	sld [smem:$0x3FB2];
	_ =	sdelay $0x3  }
0x34: {  	[smem:$0x3FB2] =	sst s10  }
0x35: {  	s10 =	sld [smem:$0x3FB1];
	_ =	sdelay $0x3  }
0x36: {  	p1 =	seq.s32 s10, $0x1;
	s10 =	sld [smem:$0x3FB2];
	_ =	sdelay $0x3  }
0x37: {  	[smem:$0x3FB2] =	sst s10  }
0x38: {  	s10 =	sld [smem:$0x3FB3]  }
0x39: {  	_ = 	snop;
	(pc) =	sbr.ind lr, $3  }
0x3a: {  	_ = 	snop  }
0x3b: {  	_ = 	snop  }
0x3c: {  	p2 =	seq.s32 s10, $0x1;
	s10 =	sld [smem:$0x3FB2]  }
0x3d: {  	_ =	shalt  }
0x3e: {  	_ =	shalt  }
0x3f: {  	_ =	shalt  }
0x40: {  	_ =	shalt  }
0x41: {  	_ =	shalt  }
0x42: {  	_ =	shalt  }
0x43: {  	_ =	shalt  }
0x44: {  	_ =	shalt  }
0x45: {  	_ =	shalt  }
0x46: {  	_ =	shalt  }
0x47: {  	_ =	shalt  }
0x48: {  	_ =	shalt  }
0x49: {  	_ =	shalt  }
0x4a: {  	_ =	shalt  }
0x4b: {  	_ =	shalt  }
0x4c: {  	_ =	shalt  }
0x4d: {  	_ =	shalt  }
0x4e: {  	_ =	shalt  }
0x4f: {  	_ =	shalt  }
0x50: {  	_ =	shalt  }
0x51: {  	_ =	shalt  }
0x52: {  	_ =	shalt  }
0x53: {  	_ =	shalt  }
0x54: {  	_ =	shalt  }
0x55: {  	_ =	shalt  }
0x56: {  	_ =	shalt  }
0x57: {  	_ =	shalt  }
0x58: {  	_ =	shalt  }
0x59: {  	_ =	shalt  }
0x5a: {  	_ =	shalt  }
0x5b: {  	_ =	shalt  }
0x5c: {  	_ =	shalt  }
0x5d: {  	_ =	shalt  }
0x5e: {  	_ =	shalt  }
0x5f: {  	_ =	shalt  }
0x60: {  	_ =	shalt  }
0x61: {  	_ =	shalt  }
0x62: {  	_ =	shalt  }
0x63: {  	_ =	shalt  }
0x64: {  	_ =	shalt  }
0x65: {  	_ =	shalt  }
0x66: {  	_ =	shalt  }
0x67: {  	_ =	shalt  }
0x68: {  	_ =	shalt  }
0x69: {  	_ =	shalt  }
0x6a: {  	_ =	shalt  }
0x6b: {  	_ =	shalt  }
0x6c: {  	_ =	shalt  }
0x6d: {  	_ =	shalt  }
0x6e: {  	_ =	shalt  }
0x6f: {  	_ =	shalt  }
0x70: {  	_ =	shalt  }
0x71: {  	_ =	shalt  }
0x72: {  	_ =	shalt  }
0x73: {  	_ =	shalt  }
0x74: {  	_ =	shalt  }
0x75: {  	_ =	shalt  }
0x76: {  	_ =	shalt  }
0x77: {  	_ =	shalt  }
0x78: {  	_ =	shalt  }
0x79: {  	_ =	shalt  }
0x7a: {  	_ =	shalt  }
0x7b: {  	_ =	shalt  }
0x7c: {  	_ =	shalt  }
0x7d: {  	_ =	shalt  }
0x7e: {  	_ =	shalt  }
0x7f: {  	_ =	shalt  }
0x80: {  	_ =	shalt  }
0x81: {  	_ =	shalt  }
0x82: {  	_ =	shalt  }
0x83: {  	_ =	shalt  }
0x84: {  	_ =	shalt  }
0x85: {  	_ =	shalt  }
0x86: {  	_ =	shalt  }
0x87: {  	_ =	shalt  }
.Lfunc_end0:
.L_simem_size_0:
called_computation_lowered:
.L_overlay_start_0:
0x88: {  	s2 =	sld [smem:$0x3FD9]  }
0x89: {  	s3 =	sld [smem:$0x3FFE];
	_ =	sdelay $0x1  }
0x8a: {  	s1 =	srdreg.scid  }
0x8b: {  	s0 =	sand.u32 $0x1, s1  }
0x8c: {  	s17 =	sshll.u32 s0, $0xA;
	s2 =	sadd.s32 s3, s2  }
0x8d: {  	s2 =	sadd.s32 s2, s17  }
0x8e: {  	[smem:$0x3FBE] =	sst s2  }
0x8f: {  	_ = 	snop  }
0x90: {  	s2 =	sld [smem:$0x3FD0];
	(tm) =	ssettm $0x1  }
0x91: {  	s18 =	sld [smem:$0x3FFB];
	_ =	sdelay $0x3  }
0x92: {  	_ =	strace s18  }
0x93: {  	s3 =	sld [smem:$0x3FFC];
	_ =	sdelay $0x3  }
0x94: {  	_ =	strace s3  }
0x95: {  	s3 =	sld [smem:$0x3FFD];
	_ =	sdelay $0x3  }
0x96: {  	_ =	strace s3  }
0x97: {  	_ =	strace $0x8FFFFFFF  }
0x98: {  	s19 =	sld [smem:$0x3FDB];
	_ =	sdelay $0x1  }
0x99: {  	s4 =	simm.s32 $_scs_section_size  }
0x9a: {  	s5 =	simm.s32 $_size__tile_overlayer_lowered;
	s6 =	simm.s32 $_tile_overlayer_lowered  }
0x9b: {  	s22 =	simm.s32 $0x1BFF;
	s21 =	sshll.u32 s6, $0x1;
	s3 =	sadd.s32 s4, s19  }
0x9c: {  	s7 =	simm.s32 $0x0;
	s20 =	sshll.u32 s5, $0x1;
	s5 =	sadd.s32 s21, s3  }
0x9d: {  	[timem:s7], [sflag:s22] =	dma.local [hbm:s5], s20  }
0x9e: {  	_ =	swait.ge [sflag:s22], s20  }
0x9f: {  	s4 =	ssub.s32 $0x0, s20;
	[sflag:s22] =	ssyncset.done $0x0  }
0xa0: {  	[sflag:s22] =	ssyncadd.s32 s4;
	_ =	sdelay $0x1  }
0xa1: {  	s23 =	simm.s32 $0x1B8B  }
0xa2: {  	_ =	swait.ge [sflag:s23], $0x1  }
0xa3: {  	[sflag:s23] =	ssyncset.done $0x0  }
0xa4: {  	s25 =	simm.s32 $0x1B8E;
	s24 =	sld [smem:$0x3FFE];
	[sflag:s23] =	ssyncadd.s32 $0xFFFFFFFF  }
0xa5: {  	s26 =	simm.s32 $execute0_lowered;
	[smem:$0x3FD2] =	sst s25  }
0xa6: {  	s5 =	sshll.u32 s26, $0x1;
	_ =	strace $0x80000046;
	[dreg:$0x1] =	wrdreg $0xFFFFFFFF  }
0xa7: {  	s28 =	simm.s32 $_size_execute0_lowered;
	s3 =	sadd.s32 s3, s5;
	[dreg:$0x0] =	wrdreg $0x0  }
0xa8: {  	s5 =	sshll.u32 s28, $0x1;
	[dreg:$0x2] =	wrdreg s3  }
0xa9: {  	[dreg:$0x3] =	wrdreg s5  }
0xaa: {  	[dreg:$0x4] =	wrdreg $0xC0  }
0xab: {  	_ =	task [dreg:s7], $0x5FFFF  }
0xac: {  	[dreg:$0x1] =	wrdreg $0xFFFFFFFF  }
0xad: {  	[dreg:$0x0] =	wrdreg $0x60  }
0xae: {  	[dreg:$0x2] =	wrdreg s24  }
0xaf: {  	[dreg:$0x3] =	wrdreg s2  }
0xb0: {  	[dreg:$0x4] =	wrdreg $0x9  }
0xb1: {  	_ =	task.clear_ibuf [dreg:s7], $0x5FFFF;
	_ =	strace $0x90000046  }
0xb2: {  	s29 =	simm.s32 $0x9;
	_ =	strace $0x80000048  }
0xb3: {  	_ =	swait.ge [sflag:s29], $0x1  }
0xb4: {  	[sflag:s29] =	ssyncadd.s32 $0xFFFFFFFF  }
0xb5: {  	_ =	strace $0x90000048  }
0xb6: {  	_ =	sfence  }
0xb7: {  	s30 =	sld [smem:$0x0];
	_ =	sdelay $0x2  }
0xb8: {  	s31 =	sshll.u32 s1, $0xD;
	s1 =	sshrl.u32 s1, $0x2  }
0xb9: {  	s3 =	sand.u32 $0x4000, s31;
	s1 =	sadd.s32 s1, s30  }
0xba: {  	s0 =	sor.u32 s3, s0;
	s1 =	sshll.u32 s1, $0x11  }
0xbb: {  	s0 =	sor.u32 s1, s0  }
0xbc: {  	s0 =	sadd.s32 $0x8F2B, s0  }
0xbd: {  	[sflag:s0] =	ssyncadd.remote.s32 $0x1  }
0xbe: {  	_ =	sfence.sel $0xFFFF  }
0xbf: {  	[dreg:$0x0] =	wrdreg $0xFFFFFFFF;
	(pc) =	sbr.abs _section_cstart, $3  }
0xc0: {  	[dreg:$0x1] =	wrdreg $0xFFFFFFFF  }
0xc1: {  	_ =	task.clear_ibuf [dreg:s7], $0x2FFFF;
	_ =	strace $0x9FFFFFFF  }
0xc2: {  	(tm) =	ssettm $0x7FFFFFFF  }
0xc3: {  	_ =	shalt  }
tec
execute0_lowered:
.L_overlay_start_1:
0x0: {  	(tag) =	ssettag $0x1  }
0x1: {  	s1 =	srdreg.scid;
	s0 =	stileid.u32  }
0x2: {  	s19 =	sand.u32 $0x1, s1;
	s31 =	sshll.u32 s0, $0x1  }
0x3: {  	s14 =	rddreg [dreg:$0x0];
	s15 =	sor.u32 s19, s31  }
0x4: {  	s2 =	rddreg [dreg:$0x1];
	s3 =	simm.s32 $0x0;
	s4 =	sshll.u32 s15, $0x6  }
0x5: {  	s5 =	simm.s32 $0x3;
	[smem:$0x7FF] =	sst s3;
	s4 =	sadd.s32 s4, s14  }
0x6: {  	s1 =	rddreg [dreg:$0x2];
	_ =	strace $0x80000047;
	s4 =	sadd.s32 $0x1C00, s4  }
0x7: {  	[tilespmem:s3], [sflag:$0x3] =	stream.linear.gather [hbm4b:s4+s3], $0x200, $0x38;
	[tilespmem:$0x10200] =	vst v63  }
0x8: {  	_ =	swait.ge [sflag:s5], $0x200  }
0x9: {  	[sflag:s5] =	ssyncset.done $0x0  }
0xa: {  	s6 =	simm.s32 $0x80;
	s7 =	simm.s32 $0x200;
	[sflag:s5] =	ssyncadd.s32 $0xFFFFFE00  }
0xb: {  	[tilespmem:s7], [sflag:$0x1] =	stream.indirect.gather [hbm4b:s2+s6], $0x80, s3, s6, $0xb8;
	[tilespmem:$0x10200] =	vst v63  }
0xc: {  	s8 =	simm.s32 $0x4200  }
0xd: {  	[tilespmem:s8], [sflag:$0x1] =	stream.indirect.gather [hbm4b:s2+s6], $0x80, s6, s6, $0xb8;
	[tilespmem:$0x10200] =	vst v63  }
0xe: {  	s9 =	simm.s32 $0x100;
	s10 =	simm.s32 $0x8200  }
0xf: {  	[tilespmem:s10], [sflag:$0x1] =	stream.indirect.gather [hbm4b:s2+s6], $0x80, s9, s6, $0xb8;
	[tilespmem:$0x10200] =	vst v63  }
0x10: {  	s11 =	simm.s32 $0x180;
	s12 =	simm.s32 $0xC200;
	s13 =	simm.s32 $0x1  }
0x11: {  	[tilespmem:s12], [sflag:$0x1] =	stream.indirect.gather [hbm4b:s2+s6], $0x80, s11, s6, $0xb8;
	[tilespmem:$0x10200] =	vst v63  }
0x12: {  	s15 =	sshll.u32 s15, $0xD;
	_ =	swait.ge [sflag:s13], $0x4000  }
0x13: {  	s17 =	sadd.s32 s15, s14;
	[sflag:s13] =	ssyncset.done $0x0  }
0x14: {  	s14 =	sadd.s32 $0x2400, s17;
	[sflag:s13] =	ssyncadd.s32 $0xFFFFC000  }
0x15: {  	[hbm4b:s14+s3] =	stream.linear.scatter [tilespmem:s7], [sflag:$0x2], $0x4000, $0x38;
	[tilespmem:$0x10200] =	vst v63  }
0x16: {  	_ =	swait.ge [sflag:s13], $0x4000  }
0x17: {  	[sflag:s13] =	ssyncset.done $0x0  }
0x18: {  	s15 =	sadd.s32 $0x2C00, s17;
	[sflag:s13] =	ssyncadd.s32 $0xFFFFC000  }
0x19: {  	[hbm4b:s15+s3] =	stream.linear.scatter [tilespmem:s8], [sflag:$0x2], $0x4000, $0x38;
	[tilespmem:$0x10200] =	vst v63  }
0x1a: {  	_ =	swait.ge [sflag:s13], $0x4000  }
0x1b: {  	[sflag:s13] =	ssyncset.done $0x0  }
0x1c: {  	s16 =	sadd.s32 $0x3400, s17;
	[sflag:s13] =	ssyncadd.s32 $0xFFFFC000  }
0x1d: {  	[hbm4b:s16+s3] =	stream.linear.scatter [tilespmem:s10], [sflag:$0x2], $0x4000, $0x38;
	[tilespmem:$0x10200] =	vst v63  }
0x1e: {  	_ =	swait.ge [sflag:s13], $0x4000  }
0x1f: {  	[sflag:s13] =	ssyncset.done $0x0  }
0x20: {  	s18 =	sadd.s32 $0x3C00, s17;
	s17 =	simm.s32 $0x2;
	[sflag:s13] =	ssyncadd.s32 $0xFFFFC000  }
0x21: {  	[hbm4b:s18+s3] =	stream.linear.scatter [tilespmem:s12], [sflag:$0x2], $0x4000, $0x38;
	[tilespmem:$0x10200] =	vst v63  }
0x22: {  	_ =	swait.ge [sflag:s17], $0x4000  }
0x23: {  	s19 =	ssub.s32 $0x2, s19;
	[sflag:s17] =	ssyncset.done $0x0  }
0x24: {  	s20 =	sshrl.u32 s19, $0x1;
	[sflag:s17] =	ssyncadd.s32 $0xFFFFC000  }
0x25: {  	s19 =	ssub.s32 s19, s20;
	_ =	swait.ge [sflag:s17], $0x4000  }
0x26: {  	s19 =	smax.u32 s19, $0x1;
	[sflag:s17] =	ssyncset.done $0x0  }
0x27: {  	p0 =	sne.s32 s19, $0x1;
	[sflag:s17] =	ssyncadd.s32 $0xFFFFC000  }
.Ltmp0:
0x28: {  	_ =	swait.ge [sflag:s17], $0x4000;
	(pc) =	sbr.rel @!p0 .LBB2_2-.Ltmp0, $4  }
0x29: {  	[sflag:s17] =	ssyncset.done $0x0  }
0x2a: {  	[sflag:s17] =	ssyncadd.s32 $0xFFFFC000  }
0x2b: {  	_ =	swait.ge [sflag:s17], $0x4000  }
0x2c: {  	s19 =	sadd.s32 $0xFFFFFFFF, s19;
	[sflag:s17] =	ssyncset.done $0x0  }
.LBB2_1:
0x2d: {  	p0 =	sne.s32 s19, $0x1;
	s19 =	sadd.s32 $0xFFFFFFFF, s19;
	[sflag:s17] =	ssyncadd.s32 $0xFFFFC000  }
0x2e: {  	[tilespmem:s3], [sflag:$0x3] =	stream.linear.gather [hbm4b:s4+s3], $0x200, $0x38;
	[tilespmem:$0x10200] =	vst v63  }
0x2f: {  	_ =	swait.ge [sflag:s5], $0x200  }
0x30: {  	[sflag:s5] =	ssyncset.done $0x0  }
0x31: {  	[sflag:s5] =	ssyncadd.s32 $0xFFFFFE00  }
0x32: {  	[tilespmem:s7], [sflag:$0x1] =	stream.indirect.gather [hbm4b:s2+s6], $0x80, s3, s6, $0xb8;
	[tilespmem:$0x10200] =	vst v63  }
0x33: {  	_ = 	snop  }
0x34: {  	[tilespmem:s8], [sflag:$0x1] =	stream.indirect.gather [hbm4b:s2+s6], $0x80, s6, s6, $0xb8;
	[tilespmem:$0x10200] =	vst v63  }
0x35: {  	_ = 	snop  }
0x36: {  	[tilespmem:s10], [sflag:$0x1] =	stream.indirect.gather [hbm4b:s2+s6], $0x80, s9, s6, $0xb8;
	[tilespmem:$0x10200] =	vst v63  }
0x37: {  	_ = 	snop  }
0x38: {  	[tilespmem:s12], [sflag:$0x1] =	stream.indirect.gather [hbm4b:s2+s6], $0x80, s11, s6, $0xb8;
	[tilespmem:$0x10200] =	vst v63  }
0x39: {  	_ =	swait.ge [sflag:s13], $0x4000  }
0x3a: {  	[sflag:s13] =	ssyncset.done $0x0  }
0x3b: {  	[sflag:s13] =	ssyncadd.s32 $0xFFFFC000  }
0x3c: {  	[hbm4b:s14+s3] =	stream.linear.scatter [tilespmem:s7], [sflag:$0x2], $0x4000, $0x38;
	[tilespmem:$0x10200] =	vst v63  }
0x3d: {  	_ =	swait.ge [sflag:s13], $0x4000  }
0x3e: {  	[sflag:s13] =	ssyncset.done $0x0  }
0x3f: {  	[sflag:s13] =	ssyncadd.s32 $0xFFFFC000  }
0x40: {  	[hbm4b:s15+s3] =	stream.linear.scatter [tilespmem:s8], [sflag:$0x2], $0x4000, $0x38;
	[tilespmem:$0x10200] =	vst v63  }
0x41: {  	_ =	swait.ge [sflag:s13], $0x4000  }
0x42: {  	[sflag:s13] =	ssyncset.done $0x0  }
0x43: {  	[sflag:s13] =	ssyncadd.s32 $0xFFFFC000  }
0x44: {  	[hbm4b:s16+s3] =	stream.linear.scatter [tilespmem:s10], [sflag:$0x2], $0x4000, $0x38;
	[tilespmem:$0x10200] =	vst v63  }
0x45: {  	_ =	swait.ge [sflag:s13], $0x4000  }
0x46: {  	[sflag:s13] =	ssyncset.done $0x0  }
0x47: {  	[sflag:s13] =	ssyncadd.s32 $0xFFFFC000  }
0x48: {  	[hbm4b:s18+s3] =	stream.linear.scatter [tilespmem:s12], [sflag:$0x2], $0x4000, $0x38;
	[tilespmem:$0x10200] =	vst v63  }
0x49: {  	_ =	swait.ge [sflag:s17], $0x4000  }
0x4a: {  	[sflag:s17] =	ssyncset.done $0x0  }
0x4b: {  	[sflag:s17] =	ssyncadd.s32 $0xFFFFC000  }
0x4c: {  	_ =	swait.ge [sflag:s17], $0x4000  }
0x4d: {  	[sflag:s17] =	ssyncset.done $0x0  }
0x4e: {  	[sflag:s17] =	ssyncadd.s32 $0xFFFFC000  }
.Ltmp1:
0x4f: {  	_ =	swait.ge [sflag:s17], $0x4000;
	(pc) =	sbr.rel @p0 .LBB2_1-.Ltmp1, $4  }
0x50: {  	[sflag:s17] =	ssyncset.done $0x0  }
0x51: {  	[sflag:s17] =	ssyncadd.s32 $0xFFFFC000  }
0x52: {  	_ =	swait.ge [sflag:s17], $0x4000  }
0x53: {  	[sflag:s17] =	ssyncset.done $0x0  }
.LBB2_2:
0x54: {  	[sflag:s17] =	ssyncadd.s32 $0xFFFFC000  }
0x55: {  	_ =	sfence.sel $0x180000  }
0x56: {  	[bflag:$0x0] =	sbarrier.arrive $0xFFFF  }
0x57: {  	p0 =	sne.s32 s0, $0x0;
	_ =	strace $0x90000047  }
0x58: {  	s0 =	sadd.s32 @!p0 $0x100000, s1;
	[bflag:$0x2] =	sbarrier.arrive $0xFFFF  }
0x59: {  	[sflag:s0] =	ssyncadd.tile.s32 @!p0 $0x1;
	_ =	shalt  }
.Lfunc_end2:
_tile_overlayer_lowered:
.L_overlay_start_2:
0x5a: {  	(tag) =	ssettag $0x2  }
0x5b: {  	s0 =	rddreg [dreg:$0x0];
	s2 =	stileid.u32  }
0x5c: {  	s1 =	rddreg [dreg:$0x1];
	p0 =	sne.s32 s2, $0x0  }
0x5d: {  	s3 =	rddreg [dreg:$0x2];
	[bflag:$0x3] =	sbarrier.arrive $0xFFFF;
	s2 =	simm.s32 @!p0 $0x1C03  }
0x5e: {  	[timem:s3], [sflag:s2] =	dma.local @!p0 [hbm:s0], s1  }
0x5f: {  	s0 =	simm.s32 @!p0 $0x3  }
0x60: {  	_ =	swait.ge @!p0 [sflag:s0], s1  }
0x61: {  	s1 =	ssub.s32 @!p0 $0x0, s1;
	[sflag:s0] =	ssyncset.done @!p0 $0x0  }
0x62: {  	[sflag:s0] =	ssyncadd.s32 @!p0 s1  }
0x63: {  	[bflag:$0x3] =	sbarrier.arrive $0xFFFF  }
0x64: {  	_ =	shalt  }

</sc_bundles>
